<compile_context>
chip_gen: v7x
topology: tpu7x:2x2x1
jax: 0.10.2.dev20260603
libtpu: 0.0.44.dev20260713+nightly
codegen_flags: <defaults>
</compile_context>

<pallas_src>
import jax
import jax.numpy as jnp
import numpy as np
from jax.experimental import pallas as pl
from jax.experimental.pallas import tpu as pltpu

_S = 25
_NA = 8
_GS = (1, 4, 9, 25, 2, 3, 6, 25)
_BT = 1024
_BT2 = 2048


def _np_consts():
    w1 = np.zeros((101, 16), np.float32)
    for j in range(_NA):
        for k in range(_GS[j]):
            w1[1 + k, j] = 1.0
    w1[:, 8] = 1.0
    w1[0, 11] = 1.0
    w2 = np.zeros((101, 16), np.float32)
    w2[26:101, 0:8] = 1.0
    w3 = np.zeros((101, 16), np.float32)
    w3[1:26, 9] = 1.0
    w4 = np.zeros((101, 16), np.float32)
    w4[0, 10] = 1.0
    rm = np.zeros((101, 101), np.float32)
    for k in range(_S):
        for j in range(3):
            rm[1 + k, 26 + 3 * k + j] = 1.0
    return w1, w2, w3, w4, rm


def _stream_body(idx_ref, p_ref, c_ref, w1_ref, w2_ref, w3_ref, w4_ref,
                 rm_ref, selo_ref, nzo_ref, abuf, sems):
    f32 = jnp.float32
    i = pl.program_id(0)
    a = pl.program_id(1)
    nb = pl.num_programs(0)
    bt = p_ref.shape[0]
    first = a == 0
    last = a == _NA - 1

    def dma(ii, aa_, slot):
        return pltpu.make_async_copy(
            c_ref.at[pl.ds((ii * _NA + aa_) * bt, bt)], abuf.at[slot], sems.at[slot])

    slot = jax.lax.rem(a, 2)

    @pl.when(jnp.logical_and(i == 0, first))
    def _():
        dma(i, a, slot).start()

    @pl.when(jnp.logical_not(jnp.logical_and(i == nb - 1, last)))
    def _():
        nxt_a = jnp.where(last, 0, a + 1)
        nxt_i = jnp.where(last, i + 1, i)
        dma(nxt_i, nxt_a, jax.lax.rem(a + 1, 2)).start()

    dma(i, a, slot).wait()

    aa = abuf[slot]
    p = p_ref[:]
    idxf = idx_ref[:]

    neqf = (aa != p).astype(f32)
    slot01 = jnp.minimum(aa, 1.0)
    dots = lambda x, y: jax.lax.dot_general(
        x, y, (((1,), (0,)), ((), ())), preferred_element_type=f32)
    m101 = dots(slot01, rm_ref[:])
    y = neqf * m101
    g = (dots(neqf, w1_ref[:]) + dots(y, w2_ref[:])
         + dots(slot01, w3_ref[:]) + dots(aa, w4_ref[:]))
    zhyp = (g[:, 0:8] == 0.0).astype(f32)
    ohw = (idxf == a.astype(f32)).astype(f32)

    @pl.when(first)
    def _():
        selo_ref[:] = ohw * g
        nzo_ref[:] = zhyp

    @pl.when(jnp.logical_not(first))
    def _():
        selo_ref[:] = selo_ref[:] + ohw * g
        nzo_ref[:] = nzo_ref[:] + zhyp


def _finish_body(sel_ref, nz_ref, out_ref):
    f32 = jnp.float32
    sel = sel_ref[:]
    bt = sel.shape[0]
    grp = sel[:, 10:11]
    gi = jnp.clip(grp.astype(jnp.int32), 0, 7)
    g8 = (jax.lax.broadcasted_iota(jnp.int32, (bt, _NA), 1)
          == gi).astype(f32)
    d_idx = jnp.sum(sel[:, 0:8] * g8, axis=1, keepdims=True)
    n_zero = jnp.sum(nz_ref[:] * g8, axis=1, keepdims=True)
    r_idx = sel[:, 8:9]
    sc_idx = sel[:, 9:10]
    gmis = sel[:, 11:12]
    cnt = jnp.full((bt, 1), float(_GS[-1]), f32)
    for j in range(_NA - 2, -1, -1):
        cnt = jnp.where(gi == j, float(_GS[j]), cnt)
    fm = cnt + 3.0 * sc_idx
    ham_sum = d_idx + gmis
    hams = ham_sum / jnp.maximum(fm, 1.0)
    tz = (d_idx == 0.0).astype(f32)
    once = tz * (n_zero == 1.0).astype(f32)

    @pl.when(pl.program_id(0) == 0)
    def _():
        for j in range(8):
            out_ref[j] = 0.0

    sums = [tz, r_idx, ham_sum, fm, hams, tz, once]
    for j, v in enumerate(sums):
        out_ref[j] = out_ref[j] + jnp.sum(v)


@jax.jit
def kernel(target_index, predict, contexts):
    B = predict.shape[0]
    bt = _BT
    idxf = jnp.clip(target_index.astype(jnp.int32) - 8, 0, _NA - 1).astype(jnp.float32)
    w1, w2, w3, w4, rm = _np_consts()

    cp = pl.BlockSpec((101, 16), lambda i, a: (0, 0))
    sel, nz = pl.pallas_call(
        _stream_body,
        grid=(B // bt, _NA),
        in_specs=[
            pl.BlockSpec((bt, 1), lambda i, a: (i, 0)),
            pl.BlockSpec((bt, 101), lambda i, a: (i, 0)),
            pl.BlockSpec(memory_space=pl.ANY),
            cp, cp, cp, cp,
            pl.BlockSpec((101, 101), lambda i, a: (0, 0)),
        ],
        out_specs=[
            pl.BlockSpec((bt, 16), lambda i, a: (i, 0)),
            pl.BlockSpec((bt, _NA), lambda i, a: (i, 0)),
        ],
        out_shape=[
            jax.ShapeDtypeStruct((B, 16), jnp.float32),
            jax.ShapeDtypeStruct((B, _NA), jnp.float32),
        ],
        scratch_shapes=[
            pltpu.VMEM((2, bt, 101), jnp.float32),
            pltpu.SemaphoreType.DMA((2,)),
        ],
        compiler_params=pltpu.CompilerParams(
            dimension_semantics=("arbitrary", "arbitrary"),
        ),
    )(idxf, predict, contexts.reshape(B * 16, 101)[:B * _NA],
      jnp.asarray(w1), jnp.asarray(w2), jnp.asarray(w3), jnp.asarray(w4),
      jnp.asarray(rm))

    sums = pl.pallas_call(
        _finish_body,
        grid=(B // _BT2,),
        in_specs=[
            pl.BlockSpec((_BT2, 16), lambda i: (i, 0)),
            pl.BlockSpec((_BT2, _NA), lambda i: (i, 0)),
        ],
        out_specs=pl.BlockSpec(memory_space=pltpu.SMEM),
        out_shape=jax.ShapeDtypeStruct((8,), jnp.float32),
        compiler_params=pltpu.CompilerParams(
            dimension_semantics=("arbitrary",),
        ),
    )(sel, nz)

    bf = jnp.float32(B)
    acc_same = sums[0] / bf
    hamf = sums[1] / bf
    accuracy = 1.0 - sums[2] / (sums[3] + bf)
    ham = sums[2] / bf
    hams = sums[4] / bf
    up = sums[5] / bf
    low = sums[6] / bf
    return jnp.stack([acc_same, hamf, accuracy, ham, hams, up, low]).astype(jnp.float32)

# --- scband reference (transcript-rebuilt; emitter-appended) ---
"""Pipeline reference for scband-similarity-raven-17351667876084 (READ-ONLY COPY).

The authoritative reference and input builder live on the scoring server;
editing this copy changes nothing except your own understanding.
"""

import jax, jax.numpy as jnp
import numpy as np

S = 25                # number of slots
PROP_START = 1 + S    # 26: rv.target.INDEX[0]
END = 1 + 4 * S       # 101: rv.target.END_INDEX
N_ANSWERS = 8
GROUP_SLOTS = jnp.array([1, 4, 9, 25, 2, 3, 6, 25], dtype=jnp.int32)


def range_mask_fn(group):
    g = jnp.clip(group.astype(jnp.int32), 0, GROUP_SLOTS.shape[0] - 1)
    counts = jnp.take(GROUP_SLOTS, g)  # gather
    return jnp.arange(S)[None, :] < counts[:, None]


def interleave(a):
    return jnp.concatenate([x[..., None] for x in a], axis=-1).reshape(a[0].shape[0], -1)


def uniform_mask(target):
    B = target.shape[0]
    ones = jnp.ones((B, S), dtype=bool)
    return [ones, ones, ones, ones, ones]


def get_matches(diff_answers, target_index):
    sums = jnp.sum(diff_answers, axis=-1)           # [B, 8]
    zero = sums == 0
    n_zero = jnp.sum(zero.astype(jnp.int32), axis=-1)
    idx = jnp.clip(target_index[:, 0] - 8, 0, N_ANSWERS - 1)
    tz = jnp.take_along_axis(zero, idx[:, None], axis=1)[:, 0]
    matches = tz.astype(jnp.float32)
    once = (tz & (n_zero == 1)).astype(jnp.float32)
    more = (tz & (n_zero > 1)).astype(jnp.float32)
    return matches, once, more


def setup_inputs(seed: int = 0) -> dict:
    key = jax.random.key(seed)
    k1, k2, k3 = jax.random.split(key, 3)
    B = 16384
    target_index = jax.random.randint(k1, (B, 1), 8, 16, dtype=jnp.int64)
    predict = jax.random.randint(k2, (B, 101), 0, 3).astype(jnp.float32)
    contexts = jax.random.randint(k3, (B, 16, 101), 0, 3).astype(jnp.float32)
    return {"target_index": target_index, "predict": predict, "contexts": contexts}


def reference(target_index, predict, contexts):
    B = predict.shape[0]
    idx = jnp.clip(target_index[:, 0] - 8, 0, N_ANSWERS - 1)
    answers = contexts[:, 8:]                                  # [B, 8, 101]
    target = jnp.take_along_axis(answers, idx[:, None, None], axis=1)[:, 0]  # gather [B, 101]
    target_group = target[:, 0]
    slot_mask = target[:, 1:PROP_START] > 0                    # [B, S] bool (mask_ == 'answer')
    group = target_group

    target_comp = target[:, 1:END]
    predict_comp = predict[:, 1:END]
    answers_comp = answers[:, :, 1:END]

    fpmasks = uniform_mask(target)
    fpm = jnp.concatenate([fpmasks[0], interleave(fpmasks[2:])], axis=-1)   # [B, 100]
    range_mask = range_mask_fn(group)                                        # [B, S]
    # mask_slot is False for mask_ == 'answer'
    full_range_mask = jnp.concatenate([range_mask, jnp.repeat(slot_mask, 3, axis=-1)], axis=-1)
    final_mask = fpm & full_range_mask                                        # [B, 100]

    fm_f = final_mask.astype(predict_comp.dtype)
    target_masked = target_comp * fm_f
    predict_masked = predict_comp * fm_f
    same = target_masked == predict_masked                                    # [B, 100]

    # ANSWER branch
    answer_range_mask = jnp.tile(range_mask[:, None], (1, N_ANSWERS, 1))      # [B, 8, S]
    answer_slot_mask = answers[..., 1:PROP_START] > 0                          # [B, 8, S]
    answer_properties_mask = jnp.repeat(answer_slot_mask, 3, axis=-1)          # [B, 8, 3S]
    full_range_mask_a = jnp.concatenate([answer_range_mask, answer_properties_mask], axis=-1)
    answer_mask = fpm[:, None] & full_range_mask_a                             # [B, 8, 100]
    am_f = answer_mask.astype(predict_comp.dtype)
    predict_answer_masked = predict_comp[:, None] * am_f
    answers_masked = answers_comp * am_f
    same_answers = predict_answer_masked == answers_masked

    diff_answers = ~same_answers
    diff = ~same

    acc_same_batch = jnp.all(same, axis=-1).astype(jnp.float32)
    acc_same = jnp.mean(acc_same_batch)

    hamf_batch = jnp.sum((predict[:, :101] != target[:, :101]).astype(jnp.float32), axis=-1)
    hamf = jnp.mean(hamf_batch)

    ham_sum = jnp.sum(diff.astype(jnp.float32), axis=-1) + (target_group != predict[:, 0]).astype(jnp.float32)
    fm_sum = jnp.sum(final_mask.astype(jnp.float32), axis=-1)
    total_predictions = jnp.sum(fm_sum + 1.0)
    accuracy = 1.0 - jnp.sum(ham_sum) / total_predictions
    ham = jnp.mean(ham_sum)
    hams_batch = ham_sum / jnp.maximum(fm_sum, 1.0)
    hams = jnp.mean(hams_batch)

    matches, once_matches, more_matches = get_matches(diff_answers.astype(jnp.int32), target_index)
    acc_choice_upper = jnp.mean(matches)
    acc_choice_lower = jnp.mean(once_matches)

    return jnp.stack([acc_same, hamf, accuracy, ham, hams, acc_choice_upper, acc_choice_lower]).astype(jnp.float32)


if False:  # reference __main__ guard neutralized (emitter)
    out = reference(**setup_inputs())
    print(out)

if __name__ == "__main__":
    import jax
    _d = setup_inputs()
    print(jax.jit(kernel)(*tuple(_d.values())))

</pallas_src>

<mosaic_0001>
module attributes {stable_mosaic.version = 14 : i64} {
  func.func @_stream_body(%arg0: i32, %arg1: i32, %arg2: memref<1024x1xf32, #tpu.memory_space<vmem>>, %arg3: memref<1024x101xf32, #tpu.memory_space<vmem>>, %arg4: memref<131072x101xf32, #tpu.memory_space<any>>, %arg5: memref<101x16xf32, #tpu.memory_space<vmem>>, %arg6: memref<101x16xf32, #tpu.memory_space<vmem>>, %arg7: memref<101x16xf32, #tpu.memory_space<vmem>>, %arg8: memref<101x16xf32, #tpu.memory_space<vmem>>, %arg9: memref<101x101xf32, #tpu.memory_space<vmem>>, %arg10: memref<1024x16xf32, #tpu.memory_space<vmem>>, %arg11: memref<1024x8xf32, #tpu.memory_space<vmem>>, %arg12: memref<2x1024x101xf32, #tpu.memory_space<vmem>>, %arg13: memref<2x!tpu.dma_semaphore, #tpu.memory_space<semaphore_mem>>) attributes {dimension_semantics = [#tpu.dimension_semantics<arbitrary>, #tpu.dimension_semantics<arbitrary>], iteration_bounds = array<i64: 16, 8>, scalar_prefetch = 0 : i64, scratch_operands = 2 : i64, tpu.core_type = #tpu.core_type<tc>, window_params = [{transform_indices = @transform_0, window_bounds = array<i64: 1024, 1>}, {transform_indices = @transform_1, window_bounds = array<i64: 1024, 101>}, {}, {pipeline_mode = #tpu.pipeline_mode<synchronous>, transform_indices = @transform_3, window_bounds = array<i64: 101, 16>}, {pipeline_mode = #tpu.pipeline_mode<synchronous>, transform_indices = @transform_4, window_bounds = array<i64: 101, 16>}, {pipeline_mode = #tpu.pipeline_mode<synchronous>, transform_indices = @transform_5, window_bounds = array<i64: 101, 16>}, {pipeline_mode = #tpu.pipeline_mode<synchronous>, transform_indices = @transform_6, window_bounds = array<i64: 101, 16>}, {pipeline_mode = #tpu.pipeline_mode<synchronous>, transform_indices = @transform_7, window_bounds = array<i64: 101, 101>}, {transform_indices = @transform_8, window_bounds = array<i64: 1024, 16>}, {transform_indices = @transform_9, window_bounds = array<i64: 1024, 8>}]} {
    %eq3A = arith.constant 0 : i32
    %eq3A_0 = arith.cmpi eq, %arg1, %eq3A : i32
    %eq3A_1 = arith.constant 7 : i32
    %eq3A_2 = arith.cmpi eq, %arg1, %eq3A_1 : i32
    %rem3A = arith.constant 2 : i32
    %rem3A_3 = arith.remsi %arg1, %rem3A : i32
    %eq3A_4 = arith.constant 0 : i32
    %eq3A_5 = arith.cmpi eq, %arg0, %eq3A_4 : i32
    %and3A = arith.andi %eq3A_5, %eq3A_0 : i1
    %convert_element_type3A = arith.extui %and3A : i1 to i32
    %cond3A = arith.constant 0 : i32
    %cond3A_6 = arith.cmpi ne, %convert_element_type3A, %cond3A : i32
    scf.if %cond3A_6 {
      %mul3A_84 = arith.constant 8 : i32
      %mul3A_85 = arith.muli %arg0, %mul3A_84 : i32
      %add3A_86 = arith.addi %mul3A_85, %arg1 : i32
      %mul3A_87 = arith.constant 1024 : i32
      %mul3A_88 = arith.muli %add3A_86, %mul3A_87 : i32
      %dma_start3A = tpu.memref_slice %arg13[%rem3A_3] : memref<2x!tpu.dma_semaphore, #tpu.memory_space<semaphore_mem>> -> memref<1x!tpu.dma_semaphore, #tpu.memory_space<semaphore_mem>>
      %dma_start3A_89 = tpu.memref_squeeze %dma_start3A : memref<1x!tpu.dma_semaphore, #tpu.memory_space<semaphore_mem>> -> memref<!tpu.dma_semaphore, #tpu.memory_space<semaphore_mem>>
      %dma_start3A_90 = arith.constant 0 : i32
      %dma_start3A_91 = arith.constant 0 : i32
      %dma_start3A_92 = tpu.memref_slice %arg12[%rem3A_3, %dma_start3A_90, %dma_start3A_91] : memref<2x1024x101xf32, #tpu.memory_space<vmem>> -> memref<1x1024x101xf32, #tpu.memory_space<vmem>>
      %dma_start3A_93 = tpu.memref_squeeze %dma_start3A_92 : memref<1x1024x101xf32, #tpu.memory_space<vmem>> -> memref<1024x101xf32, #tpu.memory_space<vmem>>
      %dma_start3A_94 = arith.constant 0 : i32
      %dma_start3A_95 = tpu.memref_slice %arg4[%mul3A_88, %dma_start3A_94] : memref<131072x101xf32, #tpu.memory_space<any>> -> memref<1024x101xf32, #tpu.memory_space<any>>
      tpu.enqueue_dma source(%dma_start3A_95 : memref<1024x101xf32, #tpu.memory_space<any>>) target(%dma_start3A_93 : memref<1024x101xf32, #tpu.memory_space<vmem>>) target_semaphore(%dma_start3A_89 : memref<!tpu.dma_semaphore, #tpu.memory_space<semaphore_mem>>)
    } else {
    }
    %eq3A_7 = arith.constant 15 : i32
    %eq3A_8 = arith.cmpi eq, %arg0, %eq3A_7 : i32
    %and3A_9 = arith.andi %eq3A_8, %eq3A_2 : i1
    %not3A = arith.constant true
    %not3A_10 = arith.xori %and3A_9, %not3A : i1
    %convert_element_type3A_11 = arith.extui %not3A_10 : i1 to i32
    %cond3A_12 = arith.constant 0 : i32
    %cond3A_13 = arith.cmpi ne, %convert_element_type3A_11, %cond3A_12 : i32
    scf.if %cond3A_13 {
      %add3A_84 = arith.constant 1 : i32
      %add3A_85 = arith.addi %arg1, %add3A_84 : i32
      %jit3A = arith.constant 0 : i32
      %select_n3A = arith.select %eq3A_2, %jit3A, %add3A_85 : i32
      %add3A_86 = arith.constant 1 : i32
      %add3A_87 = arith.addi %arg0, %add3A_86 : i32
      %select_n3A_88 = arith.select %eq3A_2, %add3A_87, %arg0 : i32
      %add3A_89 = arith.constant 1 : i32
      %add3A_90 = arith.addi %arg1, %add3A_89 : i32
      %rem3A_91 = arith.constant 2 : i32
      %rem3A_92 = arith.remsi %add3A_90, %rem3A_91 : i32
      %mul3A_93 = arith.constant 8 : i32
      %mul3A_94 = arith.muli %select_n3A_88, %mul3A_93 : i32
      %add3A_95 = arith.addi %mul3A_94, %select_n3A : i32
      %mul3A_96 = arith.constant 1024 : i32
      %mul3A_97 = arith.muli %add3A_95, %mul3A_96 : i32
      %dma_start3A = tpu.memref_slice %arg13[%rem3A_92] : memref<2x!tpu.dma_semaphore, #tpu.memory_space<semaphore_mem>> -> memref<1x!tpu.dma_semaphore, #tpu.memory_space<semaphore_mem>>
      %dma_start3A_98 = tpu.memref_squeeze %dma_start3A : memref<1x!tpu.dma_semaphore, #tpu.memory_space<semaphore_mem>> -> memref<!tpu.dma_semaphore, #tpu.memory_space<semaphore_mem>>
      %dma_start3A_99 = arith.constant 0 : i32
      %dma_start3A_100 = arith.constant 0 : i32
      %dma_start3A_101 = tpu.memref_slice %arg12[%rem3A_92, %dma_start3A_99, %dma_start3A_100] : memref<2x1024x101xf32, #tpu.memory_space<vmem>> -> memref<1x1024x101xf32, #tpu.memory_space<vmem>>
      %dma_start3A_102 = tpu.memref_squeeze %dma_start3A_101 : memref<1x1024x101xf32, #tpu.memory_space<vmem>> -> memref<1024x101xf32, #tpu.memory_space<vmem>>
      %dma_start3A_103 = arith.constant 0 : i32
      %dma_start3A_104 = tpu.memref_slice %arg4[%mul3A_97, %dma_start3A_103] : memref<131072x101xf32, #tpu.memory_space<any>> -> memref<1024x101xf32, #tpu.memory_space<any>>
      tpu.enqueue_dma source(%dma_start3A_104 : memref<1024x101xf32, #tpu.memory_space<any>>) target(%dma_start3A_102 : memref<1024x101xf32, #tpu.memory_space<vmem>>) target_semaphore(%dma_start3A_98 : memref<!tpu.dma_semaphore, #tpu.memory_space<semaphore_mem>>)
    } else {
    }
    %mul3A = arith.constant 8 : i32
    %mul3A_14 = arith.muli %arg0, %mul3A : i32
    %add3A = arith.addi %mul3A_14, %arg1 : i32
    %mul3A_15 = arith.constant 1024 : i32
    %mul3A_16 = arith.muli %add3A, %mul3A_15 : i32
    %dma_wait3A = tpu.memref_slice %arg13[%rem3A_3] : memref<2x!tpu.dma_semaphore, #tpu.memory_space<semaphore_mem>> -> memref<1x!tpu.dma_semaphore, #tpu.memory_space<semaphore_mem>>
    %dma_wait3A_17 = tpu.memref_squeeze %dma_wait3A : memref<1x!tpu.dma_semaphore, #tpu.memory_space<semaphore_mem>> -> memref<!tpu.dma_semaphore, #tpu.memory_space<semaphore_mem>>
    %dma_wait3A_18 = arith.constant 0 : i32
    %dma_wait3A_19 = arith.constant 0 : i32
    %dma_wait3A_20 = tpu.memref_slice %arg12[%rem3A_3, %dma_wait3A_18, %dma_wait3A_19] : memref<2x1024x101xf32, #tpu.memory_space<vmem>> -> memref<1x1024x101xf32, #tpu.memory_space<vmem>>
    %dma_wait3A_21 = tpu.memref_squeeze %dma_wait3A_20 : memref<1x1024x101xf32, #tpu.memory_space<vmem>> -> memref<1024x101xf32, #tpu.memory_space<vmem>>
    %dma_wait3A_22 = arith.constant 0 : i32
    %dma_wait3A_23 = tpu.memref_slice %arg4[%mul3A_16, %dma_wait3A_22] : memref<131072x101xf32, #tpu.memory_space<any>> -> memref<1024x101xf32, #tpu.memory_space<any>>
    tpu.wait_dma2 semaphore(%dma_wait3A_17 : memref<!tpu.dma_semaphore, #tpu.memory_space<semaphore_mem>>) src(%dma_wait3A_23 : memref<1024x101xf32, #tpu.memory_space<any>>) dst(%dma_wait3A_21 : memref<1024x101xf32, #tpu.memory_space<vmem>>)
    %get3A = arith.index_cast %rem3A_3 : i32 to index
    %get3A_24 = arith.constant 0 : index
    %get3A_25 = arith.constant 0 : index
    %get3A_26 = vector.load %arg12[%get3A, %get3A_24, %get3A_25] : memref<2x1024x101xf32, #tpu.memory_space<vmem>>, vector<1x1024x101xf32>
    %get3A_27 = vector.shape_cast %get3A_26 : vector<1x1024x101xf32> to vector<1024x101xf32>
    %get3A_28 = arith.constant 0 : index
    %get3A_29 = arith.constant 0 : index
    %get3A_30 = vector.load %arg3[%get3A_28, %get3A_29] : memref<1024x101xf32, #tpu.memory_space<vmem>>, vector<1024x101xf32>
    %get3A_31 = arith.constant 0 : index
    %get3A_32 = arith.constant 0 : index
    %get3A_33 = vector.load %arg2[%get3A_31, %get3A_32] : memref<1024x1xf32, #tpu.memory_space<vmem>>, vector<1024x1xf32>
    %ne3A = arith.cmpf one, %get3A_27, %get3A_30 : vector<1024x101xf32>
    %convert_element_type3A_34 = arith.extui %ne3A : vector<1024x101xi1> to vector<1024x101xi32>
    %convert_element_type3A_35 = arith.sitofp %convert_element_type3A_34 : vector<1024x101xi32> to vector<1024x101xf32>
    %min3A = arith.constant 1.000000e+00 : f32
    %min3A_36 = vector.broadcast %min3A : f32 to vector<1024x101xf32>
    %min3A_37 = arith.minimumf %get3A_27, %min3A_36 : vector<1024x101xf32>
    %get3A_38 = arith.constant 0 : index
    %get3A_39 = arith.constant 0 : index
    %get3A_40 = vector.load %arg9[%get3A_38, %get3A_39] : memref<101x101xf32, #tpu.memory_space<vmem>>, vector<101x101xf32>
    %dot_general3A = arith.constant dense<0.000000e+00> : vector<1024x101xf32>
    %dot_general3A_41 = tpu.matmul %min3A_37, %get3A_40, %dot_general3A {dimension_numbers = #tpu.dot_dimension_numbers<[1], [0], [0], [1], [0, 0, 1, 1], [], []>, transpose_lhs_hint = false} : vector<1024x101xf32>, vector<101x101xf32>, vector<1024x101xf32> -> vector<1024x101xf32>
    %mul3A_42 = arith.mulf %convert_element_type3A_35, %dot_general3A_41 : vector<1024x101xf32>
    %get3A_43 = arith.constant 0 : index
    %get3A_44 = arith.constant 0 : index
    %get3A_45 = vector.load %arg5[%get3A_43, %get3A_44] : memref<101x16xf32, #tpu.memory_space<vmem>>, vector<101x16xf32>
    %dot_general3A_46 = arith.constant dense<0.000000e+00> : vector<1024x16xf32>
    %dot_general3A_47 = tpu.matmul %convert_element_type3A_35, %get3A_45, %dot_general3A_46 {dimension_numbers = #tpu.dot_dimension_numbers<[1], [0], [0], [1], [0, 0, 1, 1], [], []>, transpose_lhs_hint = false} : vector<1024x101xf32>, vector<101x16xf32>, vector<1024x16xf32> -> vector<1024x16xf32>
    %get3A_48 = arith.constant 0 : index
    %get3A_49 = arith.constant 0 : index
    %get3A_50 = vector.load %arg6[%get3A_48, %get3A_49] : memref<101x16xf32, #tpu.memory_space<vmem>>, vector<101x16xf32>
    %dot_general3A_51 = arith.constant dense<0.000000e+00> : vector<1024x16xf32>
    %dot_general3A_52 = tpu.matmul %mul3A_42, %get3A_50, %dot_general3A_51 {dimension_numbers = #tpu.dot_dimension_numbers<[1], [0], [0], [1], [0, 0, 1, 1], [], []>, transpose_lhs_hint = false} : vector<1024x101xf32>, vector<101x16xf32>, vector<1024x16xf32> -> vector<1024x16xf32>
    %add3A_53 = arith.addf %dot_general3A_47, %dot_general3A_52 : vector<1024x16xf32>
    %get3A_54 = arith.constant 0 : index
    %get3A_55 = arith.constant 0 : index
    %get3A_56 = vector.load %arg7[%get3A_54, %get3A_55] : memref<101x16xf32, #tpu.memory_space<vmem>>, vector<101x16xf32>
    %dot_general3A_57 = arith.constant dense<0.000000e+00> : vector<1024x16xf32>
    %dot_general3A_58 = tpu.matmul %min3A_37, %get3A_56, %dot_general3A_57 {dimension_numbers = #tpu.dot_dimension_numbers<[1], [0], [0], [1], [0, 0, 1, 1], [], []>, transpose_lhs_hint = false} : vector<1024x101xf32>, vector<101x16xf32>, vector<1024x16xf32> -> vector<1024x16xf32>
    %add3A_59 = arith.addf %add3A_53, %dot_general3A_58 : vector<1024x16xf32>
    %get3A_60 = arith.constant 0 : index
    %get3A_61 = arith.constant 0 : index
    %get3A_62 = vector.load %arg8[%get3A_60, %get3A_61] : memref<101x16xf32, #tpu.memory_space<vmem>>, vector<101x16xf32>
    %dot_general3A_63 = arith.constant dense<0.000000e+00> : vector<1024x16xf32>
    %dot_general3A_64 = tpu.matmul %get3A_27, %get3A_62, %dot_general3A_63 {dimension_numbers = #tpu.dot_dimension_numbers<[1], [0], [0], [1], [0, 0, 1, 1], [], []>, transpose_lhs_hint = false} : vector<1024x101xf32>, vector<101x16xf32>, vector<1024x16xf32> -> vector<1024x16xf32>
    %add3A_65 = arith.addf %add3A_59, %dot_general3A_64 : vector<1024x16xf32>
    %slice3A = vector.extract_strided_slice %add3A_65 {offsets = [0, 0], sizes = [1024, 8], strides = [1, 1]} : vector<1024x16xf32> to vector<1024x8xf32>
    %eq3A_66 = arith.constant 0.000000e+00 : f32
    %eq3A_67 = vector.broadcast %eq3A_66 : f32 to vector<1024x8xf32>
    %eq3A_68 = arith.cmpf oeq, %slice3A, %eq3A_67 : vector<1024x8xf32>
    %convert_element_type3A_69 = arith.extui %eq3A_68 : vector<1024x8xi1> to vector<1024x8xi32>
    %convert_element_type3A_70 = arith.sitofp %convert_element_type3A_69 : vector<1024x8xi32> to vector<1024x8xf32>
    %convert_element_type3A_71 = arith.sitofp %arg1 : i32 to f32
    %eq3A_72 = vector.broadcast %convert_element_type3A_71 : f32 to vector<1024x1xf32>
    %eq3A_73 = arith.cmpf oeq, %get3A_33, %eq3A_72 : vector<1024x1xf32>
    %convert_element_type3A_74 = arith.extui %eq3A_73 : vector<1024x1xi1> to vector<1024x1xi32>
    %convert_element_type3A_75 = arith.sitofp %convert_element_type3A_74 : vector<1024x1xi32> to vector<1024x1xf32>
    %convert_element_type3A_76 = arith.extui %eq3A_0 : i1 to i32
    %cond3A_77 = arith.constant 0 : i32
    %cond3A_78 = arith.cmpi ne, %convert_element_type3A_76, %cond3A_77 : i32
    scf.if %cond3A_78 {
      %mul3A_84 = vector.broadcast %convert_element_type3A_75 : vector<1024x1xf32> to vector<1024x16xf32>
      %mul3A_85 = arith.mulf %mul3A_84, %add3A_65 : vector<1024x16xf32>
      %swap3A = arith.constant 0 : index
      %swap3A_86 = arith.constant 0 : index
      %swap3A_87 = vector.load %arg10[%swap3A, %swap3A_86] : memref<1024x16xf32, #tpu.memory_space<vmem>>, vector<1024x16xf32>
      tpu.vector_store %arg10[%swap3A, %swap3A_86], %mul3A_85 {strides = array<i32>} : memref<1024x16xf32, #tpu.memory_space<vmem>>, vector<1024x16xf32>,
      %swap3A_88 = arith.constant 0 : index
      %swap3A_89 = arith.constant 0 : index
      %swap3A_90 = vector.load %arg11[%swap3A_88, %swap3A_89] : memref<1024x8xf32, #tpu.memory_space<vmem>>, vector<1024x8xf32>
      tpu.vector_store %arg11[%swap3A_88, %swap3A_89], %convert_element_type3A_70 {strides = array<i32>} : memref<1024x8xf32, #tpu.memory_space<vmem>>, vector<1024x8xf32>,
    } else {
    }
    %not3A_79 = arith.constant true
    %not3A_80 = arith.xori %eq3A_0, %not3A_79 : i1
    %convert_element_type3A_81 = arith.extui %not3A_80 : i1 to i32
    %cond3A_82 = arith.constant 0 : i32
    %cond3A_83 = arith.cmpi ne, %convert_element_type3A_81, %cond3A_82 : i32
    scf.if %cond3A_83 {
      %get3A_84 = arith.constant 0 : index
      %get3A_85 = arith.constant 0 : index
      %get3A_86 = vector.load %arg10[%get3A_84, %get3A_85] : memref<1024x16xf32, #tpu.memory_space<vmem>>, vector<1024x16xf32>
      %mul3A_87 = vector.broadcast %convert_element_type3A_75 : vector<1024x1xf32> to vector<1024x16xf32>
      %mul3A_88 = arith.mulf %mul3A_87, %add3A_65 : vector<1024x16xf32>
      %add3A_89 = arith.addf %get3A_86, %mul3A_88 : vector<1024x16xf32>
      %swap3A = arith.constant 0 : index
      %swap3A_90 = arith.constant 0 : index
      %swap3A_91 = vector.load %arg10[%swap3A, %swap3A_90] : memref<1024x16xf32, #tpu.memory_space<vmem>>, vector<1024x16xf32>
      tpu.vector_store %arg10[%swap3A, %swap3A_90], %add3A_89 {strides = array<i32>} : memref<1024x16xf32, #tpu.memory_space<vmem>>, vector<1024x16xf32>,
      %get3A_92 = arith.constant 0 : index
      %get3A_93 = arith.constant 0 : index
      %get3A_94 = vector.load %arg11[%get3A_92, %get3A_93] : memref<1024x8xf32, #tpu.memory_space<vmem>>, vector<1024x8xf32>
      %add3A_95 = arith.addf %get3A_94, %convert_element_type3A_70 : vector<1024x8xf32>
      %swap3A_96 = arith.constant 0 : index
      %swap3A_97 = arith.constant 0 : index
      %swap3A_98 = vector.load %arg11[%swap3A_96, %swap3A_97] : memref<1024x8xf32, #tpu.memory_space<vmem>>, vector<1024x8xf32>
      tpu.vector_store %arg11[%swap3A_96, %swap3A_97], %add3A_95 {strides = array<i32>} : memref<1024x8xf32, #tpu.memory_space<vmem>>, vector<1024x8xf32>,
    } else {
    }
    return
  }
  func.func @transform_0(%arg0: i32, %arg1: i32) -> (i32, i32) {
    %c0_i32 = arith.constant 0 : i32
    %c0_i32_0 = arith.constant 0 : i32
    return %arg0, %c0_i32 : i32, i32
  }
  func.func @transform_1(%arg0: i32, %arg1: i32) -> (i32, i32) {
    %c0_i32 = arith.constant 0 : i32
    %c0_i32_0 = arith.constant 0 : i32
    return %arg0, %c0_i32 : i32, i32
  }
  func.func @transform_3(%arg0: i32, %arg1: i32) -> (i32, i32) {
    %c0_i32 = arith.constant 0 : i32
    %c0_i32_0 = arith.constant 0 : i32
    %c0_i32_1 = arith.constant 0 : i32
    return %c0_i32, %c0_i32_0 : i32, i32
  }
  func.func @transform_4(%arg0: i32, %arg1: i32) -> (i32, i32) {
    %c0_i32 = arith.constant 0 : i32
    %c0_i32_0 = arith.constant 0 : i32
    %c0_i32_1 = arith.constant 0 : i32
    return %c0_i32, %c0_i32_0 : i32, i32
  }
  func.func @transform_5(%arg0: i32, %arg1: i32) -> (i32, i32) {
    %c0_i32 = arith.constant 0 : i32
    %c0_i32_0 = arith.constant 0 : i32
    %c0_i32_1 = arith.constant 0 : i32
    return %c0_i32, %c0_i32_0 : i32, i32
  }
  func.func @transform_6(%arg0: i32, %arg1: i32) -> (i32, i32) {
    %c0_i32 = arith.constant 0 : i32
    %c0_i32_0 = arith.constant 0 : i32
    %c0_i32_1 = arith.constant 0 : i32
    return %c0_i32, %c0_i32_0 : i32, i32
  }
  func.func @transform_7(%arg0: i32, %arg1: i32) -> (i32, i32) {
    %c0_i32 = arith.constant 0 : i32
    %c0_i32_0 = arith.constant 0 : i32
    %c0_i32_1 = arith.constant 0 : i32
    return %c0_i32, %c0_i32_0 : i32, i32
  }
  func.func @transform_8(%arg0: i32, %arg1: i32) -> (i32, i32) {
    %c0_i32 = arith.constant 0 : i32
    %c0_i32_0 = arith.constant 0 : i32
    return %arg0, %c0_i32 : i32, i32
  }
  func.func @transform_9(%arg0: i32, %arg1: i32) -> (i32, i32) {
    %c0_i32 = arith.constant 0 : i32
    %c0_i32_0 = arith.constant 0 : i32
    return %arg0, %c0_i32 : i32, i32
  }
}

module attributes {stable_mosaic.version = 14 : i64} {
  func.func @_finish_body(%arg0: i32, %arg1: memref<2048x16xf32, #tpu.memory_space<vmem>>, %arg2: memref<2048x8xf32, #tpu.memory_space<vmem>>, %arg3: memref<8xf32, #tpu.memory_space<smem>>) attributes {dimension_semantics = [#tpu.dimension_semantics<arbitrary>], iteration_bounds = array<i64: 8>, scalar_prefetch = 0 : i64, scratch_operands = 0 : i64, tpu.core_type = #tpu.core_type<tc>, window_params = [{transform_indices = @transform_0, window_bounds = array<i64: 2048, 16>}, {transform_indices = @transform_1, window_bounds = array<i64: 2048, 8>}, {transform_indices = @transform_2, window_bounds = array<i64: 8>}]} {
    %get3A = arith.constant 0 : index
    %get3A_0 = arith.constant 0 : index
    %get3A_1 = vector.load %arg1[%get3A, %get3A_0] : memref<2048x16xf32, #tpu.memory_space<vmem>>, vector<2048x16xf32>
    %slice3A = vector.extract_strided_slice %get3A_1 {offsets = [0, 10], sizes = [2048, 1], strides = [1, 1]} : vector<2048x16xf32> to vector<2048x1xf32>
    %convert_element_type3A = arith.fptosi %slice3A : vector<2048x1xf32> to vector<2048x1xi32>
    %jit3A = arith.constant 0 : i32
    %jit3A_2 = arith.constant 7 : i32
    %max3A = vector.broadcast %jit3A : i32 to vector<2048x1xi32>
    %max3A_3 = arith.maxsi %max3A, %convert_element_type3A : vector<2048x1xi32>
    %min3A = vector.broadcast %jit3A_2 : i32 to vector<2048x1xi32>
    %min3A_4 = arith.minsi %min3A, %max3A_3 : vector<2048x1xi32>
    %iota3A = tpu.iota {dimensions = array<i32: 1>} : vector<2048x8xi32>
    %eq3A = vector.broadcast %min3A_4 : vector<2048x1xi32> to vector<2048x8xi32>
    %eq3A_5 = arith.cmpi eq, %iota3A, %eq3A : vector<2048x8xi32>
    %convert_element_type3A_6 = arith.extui %eq3A_5 : vector<2048x8xi1> to vector<2048x8xi32>
    %convert_element_type3A_7 = arith.sitofp %convert_element_type3A_6 : vector<2048x8xi32> to vector<2048x8xf32>
    %slice3A_8 = vector.extract_strided_slice %get3A_1 {offsets = [0, 0], sizes = [2048, 8], strides = [1, 1]} : vector<2048x16xf32> to vector<2048x8xf32>
    %mul3A = arith.mulf %slice3A_8, %convert_element_type3A_7 : vector<2048x8xf32>
    %reduce_sum3A = arith.constant dense<0.000000e+00> : vector<2048xf32>
    %reduce_sum3A_9 = vector.multi_reduction <add>, %mul3A, %reduce_sum3A [1] : vector<2048x8xf32> to vector<2048xf32>
    %broadcast_in_dim3A = vector.shape_cast %reduce_sum3A_9 : vector<2048xf32> to vector<2048x1xf32>
    %get3A_10 = arith.constant 0 : index
    %get3A_11 = arith.constant 0 : index
    %get3A_12 = vector.load %arg2[%get3A_10, %get3A_11] : memref<2048x8xf32, #tpu.memory_space<vmem>>, vector<2048x8xf32>
    %mul3A_13 = arith.mulf %get3A_12, %convert_element_type3A_7 : vector<2048x8xf32>
    %reduce_sum3A_14 = arith.constant dense<0.000000e+00> : vector<2048xf32>
    %reduce_sum3A_15 = vector.multi_reduction <add>, %mul3A_13, %reduce_sum3A_14 [1] : vector<2048x8xf32> to vector<2048xf32>
    %broadcast_in_dim3A_16 = vector.shape_cast %reduce_sum3A_15 : vector<2048xf32> to vector<2048x1xf32>
    %slice3A_17 = vector.extract_strided_slice %get3A_1 {offsets = [0, 8], sizes = [2048, 1], strides = [1, 1]} : vector<2048x16xf32> to vector<2048x1xf32>
    %slice3A_18 = vector.extract_strided_slice %get3A_1 {offsets = [0, 9], sizes = [2048, 1], strides = [1, 1]} : vector<2048x16xf32> to vector<2048x1xf32>
    %slice3A_19 = vector.extract_strided_slice %get3A_1 {offsets = [0, 11], sizes = [2048, 1], strides = [1, 1]} : vector<2048x16xf32> to vector<2048x1xf32>
    %broadcast_in_dim3A_20 = arith.constant 2.500000e+01 : f32
    %broadcast_in_dim3A_21 = vector.broadcast %broadcast_in_dim3A_20 : f32 to vector<2048x1xf32>
    %eq3A_22 = arith.constant 6 : i32
    %eq3A_23 = vector.broadcast %eq3A_22 : i32 to vector<2048x1xi32>
    %eq3A_24 = arith.cmpi eq, %min3A_4, %eq3A_23 : vector<2048x1xi32>
    %jit3A_25 = arith.constant 6.000000e+00 : f32
    %broadcast_in_dim3A_26 = vector.broadcast %jit3A_25 : f32 to vector<2048x1xf32>
    %select_n3A = arith.select %eq3A_24, %broadcast_in_dim3A_26, %broadcast_in_dim3A_21 : vector<2048x1xi1>, vector<2048x1xf32>
    %eq3A_27 = arith.constant 5 : i32
    %eq3A_28 = vector.broadcast %eq3A_27 : i32 to vector<2048x1xi32>
    %eq3A_29 = arith.cmpi eq, %min3A_4, %eq3A_28 : vector<2048x1xi32>
    %jit3A_30 = arith.constant 3.000000e+00 : f32
    %broadcast_in_dim3A_31 = vector.broadcast %jit3A_30 : f32 to vector<2048x1xf32>
    %select_n3A_32 = arith.select %eq3A_29, %broadcast_in_dim3A_31, %select_n3A : vector<2048x1xi1>, vector<2048x1xf32>
    %eq3A_33 = arith.constant 4 : i32
    %eq3A_34 = vector.broadcast %eq3A_33 : i32 to vector<2048x1xi32>
    %eq3A_35 = arith.cmpi eq, %min3A_4, %eq3A_34 : vector<2048x1xi32>
    %jit3A_36 = arith.constant 2.000000e+00 : f32
    %broadcast_in_dim3A_37 = vector.broadcast %jit3A_36 : f32 to vector<2048x1xf32>
    %select_n3A_38 = arith.select %eq3A_35, %broadcast_in_dim3A_37, %select_n3A_32 : vector<2048x1xi1>, vector<2048x1xf32>
    %eq3A_39 = arith.constant 3 : i32
    %eq3A_40 = vector.broadcast %eq3A_39 : i32 to vector<2048x1xi32>
    %eq3A_41 = arith.cmpi eq, %min3A_4, %eq3A_40 : vector<2048x1xi32>
    %jit3A_42 = arith.constant 2.500000e+01 : f32
    %broadcast_in_dim3A_43 = vector.broadcast %jit3A_42 : f32 to vector<2048x1xf32>
    %select_n3A_44 = arith.select %eq3A_41, %broadcast_in_dim3A_43, %select_n3A_38 : vector<2048x1xi1>, vector<2048x1xf32>
    %eq3A_45 = arith.constant 2 : i32
    %eq3A_46 = vector.broadcast %eq3A_45 : i32 to vector<2048x1xi32>
    %eq3A_47 = arith.cmpi eq, %min3A_4, %eq3A_46 : vector<2048x1xi32>
    %jit3A_48 = arith.constant 9.000000e+00 : f32
    %broadcast_in_dim3A_49 = vector.broadcast %jit3A_48 : f32 to vector<2048x1xf32>
    %select_n3A_50 = arith.select %eq3A_47, %broadcast_in_dim3A_49, %select_n3A_44 : vector<2048x1xi1>, vector<2048x1xf32>
    %eq3A_51 = arith.constant 1 : i32
    %eq3A_52 = vector.broadcast %eq3A_51 : i32 to vector<2048x1xi32>
    %eq3A_53 = arith.cmpi eq, %min3A_4, %eq3A_52 : vector<2048x1xi32>
    %jit3A_54 = arith.constant 4.000000e+00 : f32
    %broadcast_in_dim3A_55 = vector.broadcast %jit3A_54 : f32 to vector<2048x1xf32>
    %select_n3A_56 = arith.select %eq3A_53, %broadcast_in_dim3A_55, %select_n3A_50 : vector<2048x1xi1>, vector<2048x1xf32>
    %eq3A_57 = arith.constant 0 : i32
    %eq3A_58 = vector.broadcast %eq3A_57 : i32 to vector<2048x1xi32>
    %eq3A_59 = arith.cmpi eq, %min3A_4, %eq3A_58 : vector<2048x1xi32>
    %jit3A_60 = arith.constant 1.000000e+00 : f32
    %broadcast_in_dim3A_61 = vector.broadcast %jit3A_60 : f32 to vector<2048x1xf32>
    %select_n3A_62 = arith.select %eq3A_59, %broadcast_in_dim3A_61, %select_n3A_56 : vector<2048x1xi1>, vector<2048x1xf32>
    %mul3A_63 = arith.constant 3.000000e+00 : f32
    %mul3A_64 = vector.broadcast %mul3A_63 : f32 to vector<2048x1xf32>
    %mul3A_65 = arith.mulf %mul3A_64, %slice3A_18 : vector<2048x1xf32>
    %add3A = arith.addf %select_n3A_62, %mul3A_65 : vector<2048x1xf32>
    %add3A_66 = arith.addf %broadcast_in_dim3A, %slice3A_19 : vector<2048x1xf32>
    %max3A_67 = arith.constant 1.000000e+00 : f32
    %max3A_68 = vector.broadcast %max3A_67 : f32 to vector<2048x1xf32>
    %max3A_69 = arith.maximumf %add3A, %max3A_68 : vector<2048x1xf32>
    %div3A = arith.divf %add3A_66, %max3A_69 : vector<2048x1xf32>
    %eq3A_70 = arith.constant 0.000000e+00 : f32
    %eq3A_71 = vector.broadcast %eq3A_70 : f32 to vector<2048x1xf32>
    %eq3A_72 = arith.cmpf oeq, %broadcast_in_dim3A, %eq3A_71 : vector<2048x1xf32>
    %convert_element_type3A_73 = arith.extui %eq3A_72 : vector<2048x1xi1> to vector<2048x1xi32>
    %convert_element_type3A_74 = arith.sitofp %convert_element_type3A_73 : vector<2048x1xi32> to vector<2048x1xf32>
    %eq3A_75 = arith.constant 1.000000e+00 : f32
    %eq3A_76 = vector.broadcast %eq3A_75 : f32 to vector<2048x1xf32>
    %eq3A_77 = arith.cmpf oeq, %broadcast_in_dim3A_16, %eq3A_76 : vector<2048x1xf32>
    %convert_element_type3A_78 = arith.extui %eq3A_77 : vector<2048x1xi1> to vector<2048x1xi32>
    %convert_element_type3A_79 = arith.sitofp %convert_element_type3A_78 : vector<2048x1xi32> to vector<2048x1xf32>
    %mul3A_80 = arith.mulf %convert_element_type3A_74, %convert_element_type3A_79 : vector<2048x1xf32>
    %eq3A_81 = arith.constant 0 : i32
    %eq3A_82 = arith.cmpi eq, %arg0, %eq3A_81 : i32
    %convert_element_type3A_83 = arith.extui %eq3A_82 : i1 to i32
    %cond3A = arith.constant 0 : i32
    %cond3A_84 = arith.cmpi ne, %convert_element_type3A_83, %cond3A : i32
    scf.if %cond3A_84 {
      %swap3A_154 = arith.constant 0.000000e+00 : f32
      %swap3A_155 = arith.constant 0 : index
      %swap3A_156 = memref.load %arg3[%swap3A_155] : memref<8xf32, #tpu.memory_space<smem>>
      memref.store %swap3A_154, %arg3[%swap3A_155] : memref<8xf32, #tpu.memory_space<smem>>
      %swap3A_157 = arith.constant 0.000000e+00 : f32
      %swap3A_158 = arith.constant 1 : index
      %swap3A_159 = memref.load %arg3[%swap3A_158] : memref<8xf32, #tpu.memory_space<smem>>
      memref.store %swap3A_157, %arg3[%swap3A_158] : memref<8xf32, #tpu.memory_space<smem>>
      %swap3A_160 = arith.constant 0.000000e+00 : f32
      %swap3A_161 = arith.constant 2 : index
      %swap3A_162 = memref.load %arg3[%swap3A_161] : memref<8xf32, #tpu.memory_space<smem>>
      memref.store %swap3A_160, %arg3[%swap3A_161] : memref<8xf32, #tpu.memory_space<smem>>
      %swap3A_163 = arith.constant 0.000000e+00 : f32
      %swap3A_164 = arith.constant 3 : index
      %swap3A_165 = memref.load %arg3[%swap3A_164] : memref<8xf32, #tpu.memory_space<smem>>
      memref.store %swap3A_163, %arg3[%swap3A_164] : memref<8xf32, #tpu.memory_space<smem>>
      %swap3A_166 = arith.constant 0.000000e+00 : f32
      %swap3A_167 = arith.constant 4 : index
      %swap3A_168 = memref.load %arg3[%swap3A_167] : memref<8xf32, #tpu.memory_space<smem>>
      memref.store %swap3A_166, %arg3[%swap3A_167] : memref<8xf32, #tpu.memory_space<smem>>
      %swap3A_169 = arith.constant 0.000000e+00 : f32
      %swap3A_170 = arith.constant 5 : index
      %swap3A_171 = memref.load %arg3[%swap3A_170] : memref<8xf32, #tpu.memory_space<smem>>
      memref.store %swap3A_169, %arg3[%swap3A_170] : memref<8xf32, #tpu.memory_space<smem>>
      %swap3A_172 = arith.constant 0.000000e+00 : f32
      %swap3A_173 = arith.constant 6 : index
      %swap3A_174 = memref.load %arg3[%swap3A_173] : memref<8xf32, #tpu.memory_space<smem>>
      memref.store %swap3A_172, %arg3[%swap3A_173] : memref<8xf32, #tpu.memory_space<smem>>
      %swap3A_175 = arith.constant 0.000000e+00 : f32
      %swap3A_176 = arith.constant 7 : index
      %swap3A_177 = memref.load %arg3[%swap3A_176] : memref<8xf32, #tpu.memory_space<smem>>
      memref.store %swap3A_175, %arg3[%swap3A_176] : memref<8xf32, #tpu.memory_space<smem>>
    } else {
    }
    %get3A_85 = arith.constant 0 : index
    %get3A_86 = memref.load %arg3[%get3A_85] : memref<8xf32, #tpu.memory_space<smem>>
    %reduce_sum3A_87 = vector.shape_cast %convert_element_type3A_74 : vector<2048x1xf32> to vector<1x2048x1xf32>
    %reduce_sum3A_88 = arith.constant dense<0.000000e+00> : vector<1xf32>
    %reduce_sum3A_89 = vector.multi_reduction <add>, %reduce_sum3A_87, %reduce_sum3A_88 [1, 2] : vector<1x2048x1xf32> to vector<1xf32>
    %reduce_sum3A_90 = vector.shape_cast %reduce_sum3A_89 : vector<1xf32> to vector<1x1x1xf32>
    %reduce_sum3A_91 = vector.extract %reduce_sum3A_90[0, 0, 0] : f32 from vector<1x1x1xf32>
    %add3A_92 = arith.addf %get3A_86, %reduce_sum3A_91 : f32
    %swap3A = arith.constant 0 : index
    %swap3A_93 = memref.load %arg3[%swap3A] : memref<8xf32, #tpu.memory_space<smem>>
    memref.store %add3A_92, %arg3[%swap3A] : memref<8xf32, #tpu.memory_space<smem>>
    %get3A_94 = arith.constant 1 : index
    %get3A_95 = memref.load %arg3[%get3A_94] : memref<8xf32, #tpu.memory_space<smem>>
    %reduce_sum3A_96 = vector.shape_cast %slice3A_17 : vector<2048x1xf32> to vector<1x2048x1xf32>
    %reduce_sum3A_97 = arith.constant dense<0.000000e+00> : vector<1xf32>
    %reduce_sum3A_98 = vector.multi_reduction <add>, %reduce_sum3A_96, %reduce_sum3A_97 [1, 2] : vector<1x2048x1xf32> to vector<1xf32>
    %reduce_sum3A_99 = vector.shape_cast %reduce_sum3A_98 : vector<1xf32> to vector<1x1x1xf32>
    %reduce_sum3A_100 = vector.extract %reduce_sum3A_99[0, 0, 0] : f32 from vector<1x1x1xf32>
    %add3A_101 = arith.addf %get3A_95, %reduce_sum3A_100 : f32
    %swap3A_102 = arith.constant 1 : index
    %swap3A_103 = memref.load %arg3[%swap3A_102] : memref<8xf32, #tpu.memory_space<smem>>
    memref.store %add3A_101, %arg3[%swap3A_102] : memref<8xf32, #tpu.memory_space<smem>>
    %get3A_104 = arith.constant 2 : index
    %get3A_105 = memref.load %arg3[%get3A_104] : memref<8xf32, #tpu.memory_space<smem>>
    %reduce_sum3A_106 = vector.shape_cast %add3A_66 : vector<2048x1xf32> to vector<1x2048x1xf32>
    %reduce_sum3A_107 = arith.constant dense<0.000000e+00> : vector<1xf32>
    %reduce_sum3A_108 = vector.multi_reduction <add>, %reduce_sum3A_106, %reduce_sum3A_107 [1, 2] : vector<1x2048x1xf32> to vector<1xf32>
    %reduce_sum3A_109 = vector.shape_cast %reduce_sum3A_108 : vector<1xf32> to vector<1x1x1xf32>
    %reduce_sum3A_110 = vector.extract %reduce_sum3A_109[0, 0, 0] : f32 from vector<1x1x1xf32>
    %add3A_111 = arith.addf %get3A_105, %reduce_sum3A_110 : f32
    %swap3A_112 = arith.constant 2 : index
    %swap3A_113 = memref.load %arg3[%swap3A_112] : memref<8xf32, #tpu.memory_space<smem>>
    memref.store %add3A_111, %arg3[%swap3A_112] : memref<8xf32, #tpu.memory_space<smem>>
    %get3A_114 = arith.constant 3 : index
    %get3A_115 = memref.load %arg3[%get3A_114] : memref<8xf32, #tpu.memory_space<smem>>
    %reduce_sum3A_116 = vector.shape_cast %add3A : vector<2048x1xf32> to vector<1x2048x1xf32>
    %reduce_sum3A_117 = arith.constant dense<0.000000e+00> : vector<1xf32>
    %reduce_sum3A_118 = vector.multi_reduction <add>, %reduce_sum3A_116, %reduce_sum3A_117 [1, 2] : vector<1x2048x1xf32> to vector<1xf32>
    %reduce_sum3A_119 = vector.shape_cast %reduce_sum3A_118 : vector<1xf32> to vector<1x1x1xf32>
    %reduce_sum3A_120 = vector.extract %reduce_sum3A_119[0, 0, 0] : f32 from vector<1x1x1xf32>
    %add3A_121 = arith.addf %get3A_115, %reduce_sum3A_120 : f32
    %swap3A_122 = arith.constant 3 : index
    %swap3A_123 = memref.load %arg3[%swap3A_122] : memref<8xf32, #tpu.memory_space<smem>>
    memref.store %add3A_121, %arg3[%swap3A_122] : memref<8xf32, #tpu.memory_space<smem>>
    %get3A_124 = arith.constant 4 : index
    %get3A_125 = memref.load %arg3[%get3A_124] : memref<8xf32, #tpu.memory_space<smem>>
    %reduce_sum3A_126 = vector.shape_cast %div3A : vector<2048x1xf32> to vector<1x2048x1xf32>
    %reduce_sum3A_127 = arith.constant dense<0.000000e+00> : vector<1xf32>
    %reduce_sum3A_128 = vector.multi_reduction <add>, %reduce_sum3A_126, %reduce_sum3A_127 [1, 2] : vector<1x2048x1xf32> to vector<1xf32>
    %reduce_sum3A_129 = vector.shape_cast %reduce_sum3A_128 : vector<1xf32> to vector<1x1x1xf32>
    %reduce_sum3A_130 = vector.extract %reduce_sum3A_129[0, 0, 0] : f32 from vector<1x1x1xf32>
    %add3A_131 = arith.addf %get3A_125, %reduce_sum3A_130 : f32
    %swap3A_132 = arith.constant 4 : index
    %swap3A_133 = memref.load %arg3[%swap3A_132] : memref<8xf32, #tpu.memory_space<smem>>
    memref.store %add3A_131, %arg3[%swap3A_132] : memref<8xf32, #tpu.memory_space<smem>>
    %get3A_134 = arith.constant 5 : index
    %get3A_135 = memref.load %arg3[%get3A_134] : memref<8xf32, #tpu.memory_space<smem>>
    %reduce_sum3A_136 = vector.shape_cast %convert_element_type3A_74 : vector<2048x1xf32> to vector<1x2048x1xf32>
    %reduce_sum3A_137 = arith.constant dense<0.000000e+00> : vector<1xf32>
    %reduce_sum3A_138 = vector.multi_reduction <add>, %reduce_sum3A_136, %reduce_sum3A_137 [1, 2] : vector<1x2048x1xf32> to vector<1xf32>
    %reduce_sum3A_139 = vector.shape_cast %reduce_sum3A_138 : vector<1xf32> to vector<1x1x1xf32>
    %reduce_sum3A_140 = vector.extract %reduce_sum3A_139[0, 0, 0] : f32 from vector<1x1x1xf32>
    %add3A_141 = arith.addf %get3A_135, %reduce_sum3A_140 : f32
    %swap3A_142 = arith.constant 5 : index
    %swap3A_143 = memref.load %arg3[%swap3A_142] : memref<8xf32, #tpu.memory_space<smem>>
    memref.store %add3A_141, %arg3[%swap3A_142] : memref<8xf32, #tpu.memory_space<smem>>
    %get3A_144 = arith.constant 6 : index
    %get3A_145 = memref.load %arg3[%get3A_144] : memref<8xf32, #tpu.memory_space<smem>>
    %reduce_sum3A_146 = vector.shape_cast %mul3A_80 : vector<2048x1xf32> to vector<1x2048x1xf32>
    %reduce_sum3A_147 = arith.constant dense<0.000000e+00> : vector<1xf32>
    %reduce_sum3A_148 = vector.multi_reduction <add>, %reduce_sum3A_146, %reduce_sum3A_147 [1, 2] : vector<1x2048x1xf32> to vector<1xf32>
    %reduce_sum3A_149 = vector.shape_cast %reduce_sum3A_148 : vector<1xf32> to vector<1x1x1xf32>
    %reduce_sum3A_150 = vector.extract %reduce_sum3A_149[0, 0, 0] : f32 from vector<1x1x1xf32>
    %add3A_151 = arith.addf %get3A_145, %reduce_sum3A_150 : f32
    %swap3A_152 = arith.constant 6 : index
    %swap3A_153 = memref.load %arg3[%swap3A_152] : memref<8xf32, #tpu.memory_space<smem>>
    memref.store %add3A_151, %arg3[%swap3A_152] : memref<8xf32, #tpu.memory_space<smem>>
    return
  }
  func.func @transform_0(%arg0: i32) -> (i32, i32) {
    %c0_i32 = arith.constant 0 : i32
    %c0_i32_0 = arith.constant 0 : i32
    return %arg0, %c0_i32 : i32, i32
  }
  func.func @transform_1(%arg0: i32) -> (i32, i32) {
    %c0_i32 = arith.constant 0 : i32
    %c0_i32_0 = arith.constant 0 : i32
    return %arg0, %c0_i32 : i32, i32
  }
  func.func @transform_2(%arg0: i32) -> i32 {
    %c0_i32 = arith.constant 0 : i32
    %c0_i32_0 = arith.constant 0 : i32
    return %c0_i32 : i32
  }
}

</mosaic_0001>

<sc_bundles>
// kernel: sparse-core-data-format-call.cloned.1.call-start
scs
called_computation_lowered:
.L_overlay_start_0:
0x0: {  	s1 =	sld [smem:$0x3FD9]  }
0x1: {  	s2 =	sld [smem:$0x3FFE];
	_ =	sdelay $0x1  }
0x2: {  	s3 =	srdreg.scid  }
0x3: {  	s0 =	sand.u32 $0x1, s3  }
0x4: {  	s17 =	sshll.u32 s0, $0xA;
	s1 =	sadd.s32 s2, s1  }
0x5: {  	s1 =	sadd.s32 s1, s17  }
0x6: {  	[smem:$0x3FC5] =	sst s1  }
0x7: {  	_ = 	snop  }
0x8: {  	(tm) =	ssettm $0x1  }
0x9: {  	s18 =	sld [smem:$0x3FFB];
	_ =	sdelay $0x3  }
0xa: {  	_ =	strace s18  }
0xb: {  	s1 =	sld [smem:$0x3FFC];
	_ =	sdelay $0x3  }
0xc: {  	_ =	strace s1  }
0xd: {  	s1 =	sld [smem:$0x3FFD];
	_ =	sdelay $0x3  }
0xe: {  	_ =	strace s1  }
0xf: {  	_ =	strace $0x8FFFFFFF  }
0x10: {  	s19 =	sld [smem:$0x3FDB];
	_ =	sdelay $0x1  }
0x11: {  	s20 =	simm.s32 $_scs_section_size  }
0x12: {  	s4 =	simm.s32 $_size__tile_overlayer_lowered;
	s5 =	simm.s32 $_tile_overlayer_lowered  }
0x13: {  	s23 =	simm.s32 $0x1BFF;
	s22 =	sshll.u32 s5, $0x1;
	s1 =	sadd.s32 s20, s19  }
0x14: {  	s6 =	simm.s32 $0x0;
	s21 =	sshll.u32 s4, $0x1;
	s4 =	sadd.s32 s22, s1  }
0x15: {  	[timem:s6], [sflag:s23] =	dma.local [hbm:s4], s21  }
0x16: {  	_ =	swait.ge [sflag:s23], s21  }
0x17: {  	s2 =	ssub.s32 $0x0, s21;
	[sflag:s23] =	ssyncset.done $0x0  }
0x18: {  	[sflag:s23] =	ssyncadd.s32 s2;
	_ =	sdelay $0x1  }
0x19: {  	s24 =	simm.s32 $0x1B8B  }
0x1a: {  	_ =	swait.ge [sflag:s24], $0x1  }
0x1b: {  	[sflag:s24] =	ssyncset.done $0x0  }
0x1c: {  	s26 =	simm.s32 $0x1B8E;
	s25 =	sld [smem:$0x3FFE];
	[sflag:s24] =	ssyncadd.s32 $0xFFFFFFFF  }
0x1d: {  	s27 =	simm.s32 $execute0_lowered;
	[smem:$0x3FD2] =	sst s26  }
0x1e: {  	s4 =	sshll.u32 s27, $0x1;
	_ =	strace $0x80000046;
	[dreg:$0x1] =	wrdreg $0xFFFFFFFF  }
0x1f: {  	s28 =	simm.s32 $_size_execute0_lowered;
	s1 =	sadd.s32 s1, s4;
	[dreg:$0x0] =	wrdreg $0x0  }
0x20: {  	s4 =	sshll.u32 s28, $0x1;
	[dreg:$0x2] =	wrdreg s1  }
0x21: {  	[dreg:$0x3] =	wrdreg s4  }
0x22: {  	[dreg:$0x4] =	wrdreg $0xC0  }
0x23: {  	_ =	task [dreg:s6], $0x5FFFF  }
0x24: {  	[dreg:$0x1] =	wrdreg $0xFFFFFFFF  }
0x25: {  	[dreg:$0x0] =	wrdreg $0x60  }
0x26: {  	[dreg:$0x2] =	wrdreg s25  }
0x27: {  	[dreg:$0x3] =	wrdreg $0x9  }
0x28: {  	_ =	task.clear_ibuf [dreg:s6], $0x4FFFF;
	_ =	strace $0x90000046  }
0x29: {  	s29 =	simm.s32 $0x9;
	_ =	strace $0x80000048  }
0x2a: {  	_ =	swait.ge [sflag:s29], $0x1  }
0x2b: {  	[sflag:s29] =	ssyncadd.s32 $0xFFFFFFFF  }
0x2c: {  	_ =	strace $0x90000048  }
0x2d: {  	_ =	sfence  }
0x2e: {  	s30 =	sld [smem:$0x0];
	_ =	sdelay $0x2  }
0x2f: {  	s31 =	sshll.u32 s3, $0xD;
	s3 =	sshrl.u32 s3, $0x2  }
0x30: {  	s2 =	sand.u32 $0x4000, s31;
	s1 =	sadd.s32 s3, s30  }
0x31: {  	s0 =	sor.u32 s2, s0;
	s1 =	sshll.u32 s1, $0x11  }
0x32: {  	s0 =	sor.u32 s1, s0  }
0x33: {  	s0 =	sadd.s32 $0x8F2B, s0  }
0x34: {  	[sflag:s0] =	ssyncadd.remote.s32 $0x1  }
0x35: {  	_ =	sfence.sel $0xFFFF  }
0x36: {  	[dreg:$0x0] =	wrdreg $0xFFFFFFFF;
	(pc) =	sbr.abs _section_cstart, $3  }
0x37: {  	[dreg:$0x1] =	wrdreg $0xFFFFFFFF  }
0x38: {  	_ =	task.clear_ibuf [dreg:s6], $0x2FFFF;
	_ =	strace $0x9FFFFFFF  }
0x39: {  	(tm) =	ssettm $0x7FFFFFFF  }
tec
execute0_lowered:
.L_overlay_start_1:
0x0: {  	(tag) =	ssettag $0x1  }
0x1: {  	s3 =	rddreg [dreg:$0x0];
	s1 =	srdreg.scid  }
0x2: {  	s0 =	rddreg [dreg:$0x1];
	_ =	strace $0x80000047;
	s4 =	simm.s32 $0x1  }
0x3: {  	s7 =	simm.s32 $0x2;
	s13 =	simm.s32 $0x0;
	p0 =	por $0x0, $0x0  }
0x4: {  	s15 =	simm.s32 $0x0;
	s14 =	simm.s32 $0x0;
	s1 =	sshll.u32 s1, $0x7  }
0x5: {  	s10 =	stileid.u32;
	s11 =	simm.s32 $0x0;
	s1 =	sand.u32 $0x80, s1  }
.Ltmp0:
0x6: {  	s12 =	simm.s32 $0x0;
	s6 =	ssub.s32 $0x2000, s1;
	(pc) =	sbr.rel .LBB1_1-.Ltmp0, $4  }
0x7: {  	s2 =	sadd.s32 $0x1600, s3;
	s5 =	sadd.s32 $0x195600, s3;
	s31 =	sshrl.u32 s6, $0x7  }
0x8: {  	[sflag:s4] =	ssyncpa.u1 $0x0;
	s6 =	sshrl.u32 s6, $0x8;
	s8 =	sand.u32 $0x1, s31  }
0x9: {  	s3 =	stileid.u32;
	[sflag:s7] =	ssyncpa.u1 $0x0;
	s6 =	sadd.s32 s6, s8  }
0xa: {  	s9 =	smov.u32 s1;
	s8 =	simm.s32 $0x800;
	s7 =	sadd.s32 $0x1, s6  }
.LBB1_4:
0xb: {  	v5 =	vld [tilespmem:s18+$0xFFFFFFD0];
	[tilespmem:s19+$0x2040 ss:$0x81] =	vst.msk $0xffff, v1  }
0xc: {  	v58 =	vld [tilespmem:s18+$0xFFFFFFE0];
	[tilespmem:s19+$0x2850 ss:$0x81] =	vst.msk $0xffff, v2  }
0xd: {  	s20 =	sshra.s32 s20, $0x2;
	v59 =	vld [tilespmem:s18+$0xFFFFFFF0];
	[tilespmem:s19+$0x3060 ss:$0x81] =	vst.msk $0xffff, v3  }
0xe: {  	v60 =	vld [tilespmem:s18+$0x0];
	[tilespmem:s19+$0x0 ss:$0x81] =	vst.msk $0xffff, v0;
	s17 =	sadd.s32 s20, s17  }
0xf: {  	v61 =	vld [tilespmem:s18+$0x10];
	[tilespmem:s17+$0x3870 ss:$0x81] =	vst.msk $0xffff, v4  }
0x10: {  	s15 =	sshll.u32 s15, $0x7;
	s27 =	sshll.u32 s14, $0x3;
	v62 =	vld [tilespmem:s18+$0x20];
	[tilespmem:s17+$0x810 ss:$0x81] =	vst.msk $0xffff, v5  }
0x11: {  	v63 =	vld [tilespmem:s18+$0xFFFFFFC0];
	s28 =	sand.u32 $0x400, s15;
	s19 =	sand.u32 $0x400, s27;
	[tilespmem:s17+$0x1020 ss:$0x81] =	vst.msk $0xffff, v58  }
0x12: {  	s30 =	sshrl.u32 s14, $0x3;
	s15 =	sand.u32 $0x380, s15;
	s29 =	sadd.s32 s19, s28;
	[tilespmem:s17+$0x1830 ss:$0x81] =	vst.msk $0xffff, v59  }
0x13: {  	s13 =	sshll.u32 s13, $0x8;
	s18 =	sand.u32 $0xF, s30;
	s15 =	sor.u32 s15, s29;
	[tilespmem:s17+$0x2040 ss:$0x81] =	vst.msk $0xffff, v60  }
0x14: {  	s31 =	sand.u32 $0x7, s14;
	s18 =	sadd.s32 s5, s18;
	s15 =	sshrl.u32 s15, $0x3;
	[tilespmem:s17+$0x2850 ss:$0x81] =	vst.msk $0xffff, v61  }
0x15: {  	s14 =	sshll.u32 s31, $0x12;
	s13 =	sadd.s32 s13, s18;
	[tilespmem:s17+$0x3060 ss:$0x81] =	vst.msk $0xffff, v62;
	s15 =	sand.u32 $0xF0, s15  }
0x16: {  	s14 =	sor.u32 $0x80, s14;
	[tilespmem:s17+$0x0 ss:$0x81] =	vst.msk $0xffff, v63;
	s13 =	sadd.s32 s15, s13  }
0x17: {  	[hbm4b:s13+s14] =	stream.strided.scatter [tilespmem:s16], [sflag:$0x2], $0x4000, s8, s14, $0x20;
	[tilespmem:$0x10100] =	vst v63  }
.LBB1_5:
0x18: {  	s16 =	sadd.s32 $0x100, s9  }
0x19: {  	s13 =	sadd.s32 $0x10, s10;
	s17 =	smov.u32 s10;
	p2 =	sgt.s32 s16, $0x1FFF  }
0x1a: {  	s17 =	smov.u32 @p2 s13  }
0x1b: {  	s19 =	smov.u32 s11;
	s13 =	sadd.s32 $0x80, s11;
	p3 =	sgt.s32 s17, $0xF  }
0x1c: {  	s19 =	smov.u32 @p3 s13  }
0x1d: {  	s16 =	smov.u32 @p2 s1;
	p2 =	sgt.s32 s19, $0x64  }
0x1e: {  	p1 =	slt.u32 s12, $0x2;
	s19 =	simm.s32 @p2 $0x0;
	p2 =	sne.s32 s12, s7  }
.Ltmp1:
0x1f: {  	s18 =	simm.s32 @!p1 $0x2;
	(pc) =	sbr.rel @!p2 .LBB1_6-.Ltmp1, $4  }
0x20: {  	s15 =	smov.u32 s10;
	s14 =	smov.u32 s11;
	_ =	swait.ge @!p1 [sflag:s18], $0x4000  }
0x21: {  	p0 =	por !p0, !p0;
	[sflag:s18] =	ssyncset.done @!p1 $0x0;
	s17 =	smov.u32 @p3 s3  }
0x22: {  	s13 =	smov.u32 s9;
	[sflag:s18] =	ssyncadd.s32 @!p1 $0xFFFFC000;
	s9 =	smov.u32 s16  }
0x23: {  	s10 =	smov.u32 s17;
	s12 =	sadd.s32 $0x1, s12;
	s11 =	smov.u32 s19  }
.LBB1_1:
0x24: {  	p1 =	sge.u32 s12, s6  }
0x25: {  	p2 =	sgt.s32 @!p1 s11, $0xFFFFFFE5  }
0x26: {  	s16 =	smov.u32 s11;
	s17 =	sshra.s32 @!p1 s11, $0x1F;
	p2 =	por !p2, p1  }
0x27: {  	s18 =	smov.u32 s10;
	s17 =	sand.u32 @!p1 s17, s11;
	s16 =	simm.s32 @p2 $0xFFFFFFE5  }
0x28: {  	s20 =	smov.u32 s9;
	p2 =	sgt.s32 @!p1 s10, $0xF;
	s16 =	ssub.s32 @!p1 s16, s17  }
0x29: {  	s31 =	sadd.s32 $0xFFFFFFFF, s12;
	p2 =	por !p2, p1;
	s17 =	sadd.s32 @!p1 $0x1B, s16  }
0x2a: {  	s18 =	simm.s32 @p2 $0xF;
	p2 =	sgt.s32 @!p1 s17, $0x7F;
	s17 =	sshra.s32 @!p1 s10, $0x1F  }
0x2b: {  	s16 =	ssub.s32 @!p1 $0x65, s16;
	p2 =	por !p2, p1;
	s17 =	sand.u32 @!p1 s17, s10  }
0x2c: {  	s16 =	simm.s32 @!p2 $0x0;
	s17 =	ssub.s32 @!p1 s18, s17;
	p2 =	sgt.s32 @!p1 s9, $0x1F80  }
0x2d: {  	s21 =	sshll.u32 @!p1 s10, $0xD;
	s19 =	sadd.s32 @!p1 $0xFFFFFFF1, s17;
	p2 =	por !p2, p1  }
0x2e: {  	s20 =	simm.s32 @p2 $0x1F80;
	p2 =	sgt.s32 @!p1 s19, $0x0;
	s19 =	sshra.s32 @!p1 s9, $0x1F  }
0x2f: {  	s17 =	ssub.s32 @!p1 $0x10, s17;
	p2 =	por !p2, p1;
	s19 =	sand.u32 @!p1 s19, s9  }
0x30: {  	s18 =	sxor.u32 @!p1 $0xFFFFFFFF, s12;
	s17 =	simm.s32 @!p2 $0x0;
	s19 =	ssub.s32 @!p1 s20, s19  }
0x31: {  	s18 =	sshll.u32 @!p1 s18, $0xE;
	s16 =	smul.u32 @!p1 s16, s17;
	s17 =	sadd.s32 @!p1 $0xFFFFE080, s19  }
0x32: {  	s21 =	sand.u32 @!p1 $0x10000, s21;
	s18 =	sand.u32 @!p1 $0x4000, s18;
	p2 =	sgt.s32 @!p1 s17, $0x7F  }
0x33: {  	s19 =	ssub.s32 @!p1 $0x2000, s19;
	s17 =	sshll.u32 @!p1 s10, $0x7;
	p2 =	por !p2, p1  }
0x34: {  	s20 =	sand.u32 @!p1 $0x78, s9;
	s17 =	sand.u32 @!p1 $0x380, s17;
	s19 =	simm.s32 @!p2 $0x0  }
0x35: {  	s17 =	sor.u32 @!p1 s17, s20;
	s20 =	sshll.u32 @!p1 s9, $0x3;
	s16 =	smul.u32 @!p1 s19, s16  }
0x36: {  	s19 =	sand.u32 @!p1 $0x1C00, s20;
	s20 =	sadd.s32 @!p1 s21, s20;
	s21 =	sand.u32 @!p1 $0x7, s9  }
0x37: {  	s17 =	sor.u32 @!p1 s19, s17;
	s19 =	sshll.u32 @!p1 s11, $0xE;
	s20 =	sshrl.u32 @!p1 s20, $0x3  }
0x38: {  	s16 =	sand.u32 @!p1 $0x3FFFFFFF, s16;
	s20 =	sand.u32 @!p1 $0x3C00, s20;
	s19 =	sadd.s32 @!p1 s2, s19  }
0x39: {  	s17 =	sshrl.u32 @!p1 s17, $0x3;
	s19 =	sadd.s32 @!p1 s20, s19;
	s20 =	sshll.u32 @!p1 s21, $0x12  }
0x3a: {  	s17 =	sadd.s32 @!p1 s17, s19;
	s19 =	sor.u32 @!p1 $0x80, s20;
	s20 =	simm.s32 @!p1 $0x20000  }
0x3b: {  	[tilespmem:s18], [sflag:$0x1] =	stream.strided.gather @!p1 [hbm4b:s17+s19], s16, s20, s19, $0x38;
	[tilespmem:$0x10100] =	vst v63  }
0x3c: {  	p1 =	sge.u32 s31, s6  }
.Ltmp2:
0x3d: {  	_ = 	snop;
	(pc) =	sbr.rel @p1 .LBB1_5-.Ltmp2, $1  }
0x3e: {  	_ =	sdelay $0x3  }
0x3f: {  	p1 =	sgt.s32 s14, $0xFFFFFFE5;
	s16 =	smov.u32 s14;
	s17 =	sshra.s32 s14, $0x1F  }
0x40: {  	s16 =	simm.s32 @!p1 $0xFFFFFFE5;
	s17 =	sand.u32 s17, s14  }
0x41: {  	s16 =	ssub.s32 s16, s17  }
0x42: {  	p2 =	sgt.s32 s15, $0xF;
	s18 =	sshra.s32 s15, $0x1F;
	s17 =	sadd.s32 $0x1B, s16  }
0x43: {  	s19 =	sshra.s32 s13, $0x1F;
	p1 =	sgt.s32 s17, $0x7F;
	s17 =	smov.u32 s15  }
0x44: {  	s18 =	sand.u32 s18, s15;
	s19 =	sand.u32 s19, s13;
	s17 =	simm.s32 @!p2 $0xF  }
0x45: {  	p2 =	sgt.s32 s13, $0x1F80;
	s17 =	ssub.s32 s17, s18;
	s18 =	smov.u32 s13  }
0x46: {  	s16 =	ssub.s32 $0x65, s16;
	s20 =	sadd.s32 $0xFFFFFFF1, s17;
	s18 =	simm.s32 @!p2 $0x1F80  }
0x47: {  	s17 =	ssub.s32 $0x10, s17;
	p2 =	sgt.s32 s20, $0x0;
	s18 =	ssub.s32 s18, s19  }
0x48: {  	s16 =	simm.s32 @p1 $0x0;
	s17 =	simm.s32 @p2 $0x0;
	s19 =	sadd.s32 $0xFFFFE080, s18  }
0x49: {  	s16 =	smul.u32 s16, s17;
	p1 =	sgt.s32 s19, $0x7F;
	s17 =	ssub.s32 $0x2000, s18  }
0x4a: {  	s17 =	simm.s32 @p1 $0x0  }
0x4b: {  	s16 =	smul.u32 s17, s16;
	_ =	sdelay $0x1  }
0x4c: {  	s17 =	simm.s32 $0x1;
	s16 =	sand.u32 $0x3FFFFFFF, s16  }
0x4d: {  	s17 =	simm.s32 @!p0 $0x0;
	_ =	swait.ge [sflag:s4], s16  }
0x4e: {  	s29 =	sshll.u32 s17, $0xE;
	s16 =	ssub.s32 $0x0, s16;
	[sflag:s4] =	ssyncset.done $0x0  }
0x4f: {  	s18 =	sor.u32 $0x40, s29;
	[sflag:s4] =	ssyncadd.s32 s16  }
0x50: {  	s30 =	smul.u32 $0x10200, s17;
	v0 =	vld [tilespmem:s18+$0x30]  }
0x51: {  	v3 =	vld [tilespmem:s18+$0xFFFFFFD0]  }
0x52: {  	s16 =	sshrl.u32 s30, $0x2;
	v4 =	vld [tilespmem:s18+$0xFFFFFFE0]  }
0x53: {  	s17 =	sor.u32 $0x8000, s16;
	v5 =	vld [tilespmem:s18+$0xFFFFFFF0]  }
0x54: {  	s31 =	sand.u32 $0x1, s12;
	v1 =	vld [tilespmem:s18+$0x0];
	s19 =	sadd.s32 $0x0, s17  }
0x55: {  	s16 =	smul.u32 $0x10200, s31;
	v2 =	vld [tilespmem:s18+$0x10];
	[tilespmem:s19+$0x3870 ss:$0x81] =	vst.msk $0xffff, v0  }
0x56: {  	[tilespmem:s19+$0x810 ss:$0x81] =	vst.msk $0xffff, v3;
	v3 =	vld [tilespmem:s18+$0x20]  }
0x57: {  	s16 =	sshrl.u32 s16, $0x2;
	v0 =	vld [tilespmem:s18+$0xFFFFFFC0];
	[tilespmem:s19+$0x1020 ss:$0x81] =	vst.msk $0xffff, v4;
	s18 =	sadd.s32 $0x80, s18  }
0x58: {  	s21 =	simm.s32 $0x8;
	s20 =	simm.s32 $0x4;
	s16 =	sor.u32 $0x8000, s16;
	[tilespmem:s19+$0x1830 ss:$0x81] =	vst.msk $0xffff, v5;
	v4 =	vld [tilespmem:s18+$0x30]  }
.LBB1_3:
0x59: {  	p1 =	sne.s32 s21, $0x1FC;
	v5 =	vld [tilespmem:s18+$0xFFFFFFD0];
	[tilespmem:s19+$0x2040 ss:$0x81] =	vst.msk $0xffff, v1  }
0x5a: {  	v6 =	vld [tilespmem:s18+$0xFFFFFFE0];
	[tilespmem:s19+$0x2850 ss:$0x81] =	vst.msk $0xffff, v2  }
0x5b: {  	s22 =	sshra.s32 s20, $0x2;
	s20 =	smov.u32 s21;
	v7 =	vld [tilespmem:s18+$0xFFFFFFF0];
	[tilespmem:s19+$0x3060 ss:$0x81] =	vst.msk $0xffff, v3  }
.Ltmp3:
0x5c: {  	v1 =	vld [tilespmem:s18+$0x0];
	[tilespmem:s19+$0x0 ss:$0x81] =	vst.msk $0xffff, v0;
	s19 =	sadd.s32 s22, s17;
	(pc) =	sbr.rel @p1 .LBB1_3-.Ltmp3, $4  }
0x5d: {  	v2 =	vld [tilespmem:s18+$0x10];
	[tilespmem:s19+$0x3870 ss:$0x81] =	vst.msk $0xffff, v4  }
0x5e: {  	[tilespmem:s19+$0x810 ss:$0x81] =	vst.msk $0xffff, v5;
	v3 =	vld [tilespmem:s18+$0x20]  }
0x5f: {  	v0 =	vld [tilespmem:s18+$0xFFFFFFC0];
	[tilespmem:s19+$0x1020 ss:$0x81] =	vst.msk $0xffff, v6;
	s18 =	sadd.s32 $0x80, s18  }
0x60: {  	s21 =	sadd.s32 $0x4, s21;
	v4 =	vld [tilespmem:s18+$0x30];
	[tilespmem:s19+$0x1830 ss:$0x81] =	vst.msk $0xffff, v7  }
.Ltmp4:
0x61: {  	_ = 	snop;
	(pc) =	sbr.rel .LBB1_4-.Ltmp4, $1  }
0x62: {  	_ =	sdelay $0x3  }
.LBB1_6:
0x63: {  	_ =	sfence.sel $0x180000  }
0x64: {  	s1 =	simm.s32 $0x1;
	[bflag:$0x0] =	sbarrier.arrive $0xFFFF  }
0x65: {  	s31 =	simm.s32 $0x2;
	[sflag:s1] =	ssyncpa.u1 $0x1  }
0x66: {  	[sflag:s31] =	ssyncpa.u1 $0x1  }
0x67: {  	p0 =	sne.s32 s3, $0x0;
	_ =	strace $0x90000047  }
0x68: {  	s0 =	sadd.s32 @!p0 $0x100000, s0;
	[bflag:$0x2] =	sbarrier.arrive $0xFFFF  }
0x69: {  	[sflag:s0] =	ssyncadd.tile.s32 @!p0 $0x1;
	_ =	shalt  }
.Lfunc_end1:
_tile_overlayer_lowered:
.L_overlay_start_2:
0x6a: {  	(tag) =	ssettag $0x2  }
0x6b: {  	s0 =	rddreg [dreg:$0x0];
	s2 =	stileid.u32  }
0x6c: {  	s1 =	rddreg [dreg:$0x1];
	p0 =	sne.s32 s2, $0x0  }
0x6d: {  	s3 =	rddreg [dreg:$0x2];
	[bflag:$0x3] =	sbarrier.arrive $0xFFFF;
	s2 =	simm.s32 @!p0 $0x1C01  }
0x6e: {  	[timem:s3], [sflag:s2] =	dma.local @!p0 [hbm:s0], s1  }
0x6f: {  	s0 =	simm.s32 @!p0 $0x1  }
0x70: {  	_ =	swait.ge @!p0 [sflag:s0], s1  }
0x71: {  	s1 =	ssub.s32 @!p0 $0x0, s1;
	[sflag:s0] =	ssyncset.done @!p0 $0x0  }
0x72: {  	[sflag:s0] =	ssyncadd.s32 @!p0 s1  }
0x73: {  	[bflag:$0x3] =	sbarrier.arrive $0xFFFF  }
0x74: {  	_ =	shalt  }

</sc_bundles>
